<compile_context>
chip_gen: v7x
topology: tpu7x:2x2x1
jax: 0.10.2.dev20260603
libtpu: 0.0.44.dev20260713+nightly
codegen_flags: <defaults>
</compile_context>

<pallas_src>
import functools

import jax
import jax.numpy as jnp
from jax import lax
from jax.experimental import pallas as pl
from jax.experimental.pallas import tpu as pltpu
from jax.experimental.pallas import tpu_sc as plsc

N_USER = 5000
N_ITEM = 5000
N = N_USER + N_ITEM
E = 160000
D = 128
ED = 32

NC = 2
NS = 16
NW = NC * NS
CH = 128
EPW_RAW = E // NW
NCHUNK = -(-EPW_RAW // CH)
EPW = NCHUNK * CH
EPAD = EPW * NW
RPT = 632
ACC_N = RPT * NS
TRASH = N


def _proj_kernel(x_ref, w_ref, b_ref, o_ref):
    o_ref[0] = (
        jnp.dot(x_ref[0], w_ref[0], preferred_element_type=jnp.float32)
        + b_ref[0]
    )


def _make_tables(x_stack, w_stack, b_stack):
    return pl.pallas_call(
        _proj_kernel,
        grid=(6, 5),
        in_specs=[
            pl.BlockSpec((1, 1000, D), lambda g, r: (g % 2, r, 0)),
            pl.BlockSpec((1, D, D), lambda g, r: (g, 0, 0)),
            pl.BlockSpec((1, 1, D), lambda g, r: (g, 0, 0)),
        ],
        out_specs=pl.BlockSpec((1, 1000, D), lambda g, r: (g, r, 0)),
        out_shape=jax.ShapeDtypeStruct((6, N_USER, D), jnp.float32),
    )(x_stack, w_stack, b_stack)


def _edgek_kernel(ef_ref, w5_ref, o_ref):
    o_ref[...] = jnp.dot(ef_ref[...], w5_ref[...],
                         preferred_element_type=jnp.float32)


def _make_edgek(ef_p, w5):
    return pl.pallas_call(
        _edgek_kernel,
        grid=(EPAD // 2048,),
        in_specs=[
            pl.BlockSpec((2048, ED), lambda r: (r, 0)),
            pl.BlockSpec((ED, D), lambda r: (0, 0)),
        ],
        out_specs=pl.BlockSpec((2048, D), lambda r: (r, 0)),
        out_shape=jax.ShapeDtypeStruct((EPAD, D), jnp.float32),
    )(ef_p, w5)


NB = 2


def _gather_scatter_body(t_hbm, gidx_hbm, dstf_hbm, ek_hbm, zu_hbm,
                         out_u, gidx2, dst2, rows0, ek0,
                         acc_sh, sg0):
    cid = lax.axis_index("c")
    sid = lax.axis_index("s")
    w = cid * NS + sid
    pltpu.sync_copy(zu_hbm, acc_sh.at[pl.ds(sid * RPT, RPT)])
    pltpu.sync_copy(gidx_hbm.at[w], gidx2)
    pltpu.sync_copy(dstf_hbm.at[w], dst2)
    plsc.subcore_barrier()

    wbase = w * EPW

    def body(j, _):
        base = wbase + j * CH
        pltpu.async_copy(t_hbm.at[gidx2.at[j]], rows0, sg0).wait()
        pltpu.sync_copy(ek_hbm.at[pl.ds(base, CH)], ek0)
        pltpu.sync_copy(rows0, acc_sh.at[dst2.at[j]], add=True)
        pltpu.sync_copy(ek0, acc_sh.at[dst2.at[j]], add=True)
        return 0

    lax.fori_loop(0, NCHUNK, body, 0)
    plsc.subcore_barrier()
    pltpu.sync_copy(acc_sh.at[pl.ds(sid * RPT, RPT)],
                    out_u.at[cid, pl.ds(sid * RPT, RPT)])


_gather_scatter_call = functools.partial(
    pl.kernel,
    out_type=jax.ShapeDtypeStruct((NC, ACC_N, D), jnp.float32),
    mesh=plsc.VectorSubcoreMesh(
        core_axis_name="c", subcore_axis_name="s",
        num_cores=NC, num_subcores=NS),
    scratch_types=[
        pltpu.VMEM((NCHUNK, CH), jnp.int32),
        pltpu.VMEM((NCHUNK, CH), jnp.int32),
        pltpu.VMEM((CH, D), jnp.float32),
        pltpu.VMEM((CH, D), jnp.float32),
        pltpu.VMEM_SHARED((ACC_N, D), jnp.float32),
        pltpu.SemaphoreType.DMA,
    ],
)(_gather_scatter_body)


def _combine_kernel(t_ref, a0_ref, a1_ref, g_ref, b_ref, o_ref):
    u = t_ref[0] + a0_ref[0] + a1_ref[0]
    mu = jnp.mean(u, axis=-1, keepdims=True)
    var = jnp.mean((u - mu) ** 2, axis=-1, keepdims=True)
    o_ref[...] = (u - mu) * lax.rsqrt(var + 1e-5) * g_ref[0, 0] + b_ref[0, 0]


def _combine(tables, acc, g_stack, b_stack):
    return pl.pallas_call(
        _combine_kernel,
        grid=(10,),
        in_specs=[
            pl.BlockSpec((1, 1000, D), lambda r: (4 + r // 5, r % 5, 0)),
            pl.BlockSpec((1, 1000, D), lambda r: (0, r, 0)),
            pl.BlockSpec((1, 1000, D), lambda r: (1, r, 0)),
            pl.BlockSpec((1, 1, D), lambda r: (r // 5, 0, 0)),
            pl.BlockSpec((1, 1, D), lambda r: (r // 5, 0, 0)),
        ],
        out_specs=pl.BlockSpec((1000, D), lambda r: (r, 0)),
        out_shape=jax.ShapeDtypeStruct((N, D), jnp.float32),
    )(tables, acc, acc, g_stack, b_stack)


def kernel(x_user, x_item, edge_feat, params, edge_index, node_types_per_node):
    del node_types_per_node
    b5 = params["W5_interacts"][1]
    w_stack = jnp.stack([
        params["W2_user_interacts_user"][0],
        params["W2_item_interacts_user"][0],
        params["W2_user_interacts_item"][0],
        params["W2_item_interacts_item"][0],
        params["W1_user"][0],
        params["W1_item"][0],
    ])
    b_stack = jnp.stack([
        params["W2_user_interacts_user"][1] + b5,
        params["W2_item_interacts_user"][1] + b5,
        params["W2_user_interacts_item"][1] + b5,
        params["W2_item_interacts_item"][1] + b5,
        params["W1_user"][1],
        params["W1_item"][1],
    ])[:, None, :]
    x_stack = jnp.stack([x_user, x_item])
    tables = _make_tables(x_stack, w_stack, b_stack)

    src = edge_index[0]
    dst = edge_index[1]
    gidx = src + jnp.where(dst >= N_USER, jnp.int32(N), jnp.int32(0))
    pad_w = EPW - EPW_RAW
    gidx_p = jnp.pad(gidx.reshape(NW, EPW_RAW), ((0, 0), (0, pad_w))
                     ).reshape(EPAD)
    dst_p = jnp.pad(dst.reshape(NW, EPW_RAW), ((0, 0), (0, pad_w)),
                    constant_values=TRASH).reshape(EPAD)
    ef_p = jnp.pad(edge_feat.reshape(NW, EPW_RAW, ED),
                   ((0, 0), (0, pad_w), (0, 0))).reshape(EPAD, ED)

    t_tab = tables[:4].reshape(2 * N, D)
    edge_k = _make_edgek(ef_p, params["W5_interacts"][0])
    acc = _gather_scatter_call(
        t_tab, gidx_p.reshape(NW, NCHUNK, CH), dst_p.reshape(NW, NCHUNK, CH),
        edge_k, jnp.zeros((RPT, D), jnp.float32))

    g_stack = jnp.stack([params["ln_user"][0], params["ln_item"][0]])[:, None, :]
    bn_stack = jnp.stack([params["ln_user"][1], params["ln_item"][1]])[:, None, :]
    out = _combine(tables, acc, g_stack, bn_stack)
    return out[:N_USER], out[N_USER:]

# --- scband reference (transcript-rebuilt; emitter-appended) ---
"""Pipeline reference for scband-heterogeneous-graph-transformer-26757646254094 (READ-ONLY COPY).

The authoritative reference and input builder live on the scoring server;
editing this copy changes nothing except your own understanding.
"""

import jax, jax.numpy as jnp
import numpy as np

N_USER = 5000
N_ITEM = 5000
N = N_USER + N_ITEM
E = 160000
D = 128        # hidden_dim
H = 1          # num_heads
DH = 128       # head_dim
ED = 32        # edge feature dim ('interacts' has no 'position')
NODE_TYPES = ["user", "item"]
EDGE_TYPES = ["interacts"]


def _lin(key, din, dout):
    k1, k2 = jax.random.split(key)
    lim = 1.0 / np.sqrt(din)
    W = jax.random.uniform(k1, (din, dout), minval=-lim, maxval=lim, dtype=jnp.float32)
    b = jax.random.uniform(k2, (dout,), minval=-lim, maxval=lim, dtype=jnp.float32)
    return (W, b)


def setup_inputs(seed: int = 0) -> dict:
    key = jax.random.key(seed)
    ks = jax.random.split(key, 40)
    x_user = jax.random.normal(ks[0], (N_USER, D), dtype=jnp.float32)
    x_item = jax.random.normal(ks[1], (N_ITEM, D), dtype=jnp.float32)
    edge_index = jax.random.randint(ks[2], (2, E), 0, N, dtype=jnp.int32)
    edge_feat = jax.random.normal(ks[3], (E, ED), dtype=jnp.float32)
    node_types_per_node = jnp.concatenate(
        [jnp.zeros((N_USER,), jnp.int32), jnp.ones((N_ITEM,), jnp.int32)], axis=0)
    params = {}
    i = 4
    for nt in NODE_TYPES:
        params["W1_" + nt] = _lin(ks[i], D, D); i += 1
        params["W3_" + nt] = _lin(ks[i], D, H * DH); i += 1
        params["ln_" + nt] = (jnp.ones((D,), jnp.float32), jnp.zeros((D,), jnp.float32))
    for st in NODE_TYPES:
        for dt in NODE_TYPES:
            for et in EDGE_TYPES:
                kk = st + "_" + et + "_" + dt
                params["W2_" + kk] = _lin(ks[i], D, D); i += 1
                params["W4_" + kk] = _lin(ks[i], D, H * DH); i += 1
    for et in EDGE_TYPES:
        params["W5_" + et] = _lin(ks[i], ED, H * DH); i += 1
    return {"x_user": x_user, "x_item": x_item, "edge_feat": edge_feat,
            "params": params, "edge_index": edge_index,
            "node_types_per_node": node_types_per_node}


def _layer_norm(x, g, b):
    mu = jnp.mean(x, axis=-1, keepdims=True)
    var = jnp.var(x, axis=-1, keepdims=True)
    return (x - mu) / jnp.sqrt(var + 1e-5) * g + b


def _forward(x_user, x_item, edge_feat, params, edge_index, node_types_per_node):
    all_nodes = jnp.concatenate([x_user, x_item], axis=0)
    W, b = params["W1_user"]
    upd_u = x_user @ W + b
    W, b = params["W1_item"]
    upd_i = x_item @ W + b
    updated = jnp.concatenate([upd_u, upd_i], axis=0)
    src = edge_index[0]
    dst = edge_index[1]
    src_t = node_types_per_node[src]
    dst_t = node_types_per_node[dst]
    src_feat = jnp.take(all_nodes, src, axis=0)
    dst_feat = jnp.take(all_nodes, dst, axis=0)
    for et in EDGE_TYPES:
        W5, b5 = params["W5_" + et]
        edge_k = edge_feat @ W5 + b5
        for si, styp in enumerate(NODE_TYPES):
            for di, dtyp in enumerate(NODE_TYPES):
                # per-edge mask replaces torch boolean gather; masked edges
                # contribute exactly zero to the scatter-add, so the math is
                # identical to masking first. Attention softmax is per-edge
                # over heads (dim=-1), so it is unaffected by masking.
                mask = ((src_t == si) & (dst_t == di)).astype(all_nodes.dtype)
                edge_key = styp + "_" + et + "_" + dtyp
                W3, b3 = params["W3_" + dtyp]
                q = (dst_feat @ W3 + b3).reshape(-1, H, DH)
                W4, b4 = params["W4_" + edge_key]
                k = ((src_feat @ W4 + b4) + edge_k).reshape(-1, H, DH)
                scores = jnp.sum(q * k, axis=-1) / np.sqrt(DH)
                attn = jax.nn.softmax(scores, axis=-1)
                W2, b2 = params["W2_" + edge_key]
                v = ((src_feat @ W2 + b2) + edge_k).reshape(-1, H, DH)
                attended = jnp.sum(attn[..., None] * v, axis=1).reshape(-1, D)
                updated = updated.at[dst].add(attended * mask[:, None])
    g, b = params["ln_user"]
    out_user = _layer_norm(updated[:N_USER], g, b)
    g, b = params["ln_item"]
    out_item = _layer_norm(updated[N_USER:], g, b)
    return out_user, out_item


def reference(x_user, x_item, edge_feat, params, edge_index, node_types_per_node):
    return _forward(x_user, x_item, edge_feat, params, edge_index, node_types_per_node)


if False:  # reference __main__ guard neutralized (emitter)
    out = reference(**setup_inputs())
    print(out[0].shape, out[1].shape)

if __name__ == "__main__":
    import jax
    _d = setup_inputs()
    print(jax.jit(kernel)(*tuple(_d.values())))

</pallas_src>

<mosaic_0001>
#map = affine_map<(d0, d1) -> (0, 0)>
#map1 = affine_map<(d0, d1) -> (0, 0, 0)>
module attributes {stable_mosaic.version = 14 : i64} {
  func.func @_gather_scatter_body(%arg0: i32, %arg1: i32, %arg2: memref<20000x128xf32, #tpu.memory_space<hbm>>, %arg3: memref<32x40x128xi32, #tpu.memory_space<hbm>>, %arg4: memref<32x40x128xi32, #tpu.memory_space<hbm>>, %arg5: memref<163840x128xf32, #tpu.memory_space<hbm>>, %arg6: memref<632x128xf32, #tpu.memory_space<hbm>>, %arg7: memref<2x10112x128xf32, #tpu.memory_space<hbm>>, %arg8: memref<40x128xi32, #tpu.memory_space<vmem>>, %arg9: memref<40x128xi32, #tpu.memory_space<vmem>>, %arg10: memref<128x128xf32, #tpu.memory_space<vmem>>, %arg11: memref<128x128xf32, #tpu.memory_space<vmem>>, %arg12: memref<10112x128xf32, #tpu.memory_space<vmem_shared>>, %arg13: memref<!tpu.dma_semaphore, #tpu.memory_space<semaphore_mem>>) attributes {dimension_semantics = [#tpu.dimension_semantics<core_parallel>, #tpu.dimension_semantics<subcore_parallel>], iteration_bounds = array<i64: 2, 16>, scalar_prefetch = 0 : i64, scratch_operands = 6 : i64, tpu.core_type = #tpu.core_type<sc_vector_subcore>, window_params = [{transform_indices = #map}, {transform_indices = #map1}, {transform_indices = #map1}, {transform_indices = #map}, {transform_indices = #map}, {transform_indices = #map1}]} {
    %mul3A = arith.constant 16 : i32
    %mul3A_0 = arith.muli %arg0, %mul3A : i32
    %add3A = arith.addi %mul3A_0, %arg1 : i32
    %mul3A_1 = arith.constant 632 : i32
    %mul3A_2 = arith.muli %arg1, %mul3A_1 : i32
    "tpu.region"() ({
      %run_scoped3A = tpu.sem_alloc : memref<!tpu.dma_semaphore, #tpu.memory_space<semaphore_mem>>
      %dma_start3A = arith.constant 0 : i32
      %dma_start3A_16 = tpu.memref_slice %arg12[%mul3A_2, %dma_start3A] : memref<10112x128xf32, #tpu.memory_space<vmem_shared>> -> memref<632x128xf32, #tpu.memory_space<vmem_shared>>
      tpu.enqueue_dma source(%arg6 : memref<632x128xf32, #tpu.memory_space<hbm>>) target(%dma_start3A_16 : memref<632x128xf32, #tpu.memory_space<vmem_shared>>) target_semaphore(%run_scoped3A : memref<!tpu.dma_semaphore, #tpu.memory_space<semaphore_mem>>)
      %dma_wait3A = arith.constant 0 : i32
      %dma_wait3A_17 = tpu.memref_slice %arg12[%mul3A_2, %dma_wait3A] : memref<10112x128xf32, #tpu.memory_space<vmem_shared>> -> memref<632x128xf32, #tpu.memory_space<vmem_shared>>
      tpu.wait_dma2 semaphore(%run_scoped3A : memref<!tpu.dma_semaphore, #tpu.memory_space<semaphore_mem>>) src(%arg6 : memref<632x128xf32, #tpu.memory_space<hbm>>) dst(%dma_wait3A_17 : memref<632x128xf32, #tpu.memory_space<vmem_shared>>)
      tpu.yield
    }) : () -> ()
    "tpu.region"() ({
      %run_scoped3A = tpu.sem_alloc : memref<!tpu.dma_semaphore, #tpu.memory_space<semaphore_mem>>
      %dma_start3A = arith.constant 0 : i32
      %dma_start3A_16 = arith.constant 0 : i32
      %dma_start3A_17 = tpu.memref_slice %arg3[%add3A, %dma_start3A, %dma_start3A_16] : memref<32x40x128xi32, #tpu.memory_space<hbm>> -> memref<1x40x128xi32, #tpu.memory_space<hbm>>
      %dma_start3A_18 = tpu.memref_squeeze %dma_start3A_17 : memref<1x40x128xi32, #tpu.memory_space<hbm>> -> memref<40x128xi32, #tpu.memory_space<hbm>>
      %dma_start3A_19 = arith.constant 0 : i32
      %dma_start3A_20 = arith.constant 0 : i32
      %dma_start3A_21 = tpu.memref_slice %arg3[%add3A, %dma_start3A_19, %dma_start3A_20] : memref<32x40x128xi32, #tpu.memory_space<hbm>> -> memref<1x40x128xi32, #tpu.memory_space<hbm>>
      %dma_start3A_22 = tpu.memref_squeeze %dma_start3A_21 : memref<1x40x128xi32, #tpu.memory_space<hbm>> -> memref<40x128xi32, #tpu.memory_space<hbm>>
      tpu.enqueue_dma source(%dma_start3A_22 : memref<40x128xi32, #tpu.memory_space<hbm>>) target(%arg8 : memref<40x128xi32, #tpu.memory_space<vmem>>) target_semaphore(%run_scoped3A : memref<!tpu.dma_semaphore, #tpu.memory_space<semaphore_mem>>)
      %dma_wait3A = arith.constant 0 : i32
      %dma_wait3A_23 = arith.constant 0 : i32
      %dma_wait3A_24 = tpu.memref_slice %arg3[%add3A, %dma_wait3A, %dma_wait3A_23] : memref<32x40x128xi32, #tpu.memory_space<hbm>> -> memref<1x40x128xi32, #tpu.memory_space<hbm>>
      %dma_wait3A_25 = tpu.memref_squeeze %dma_wait3A_24 : memref<1x40x128xi32, #tpu.memory_space<hbm>> -> memref<40x128xi32, #tpu.memory_space<hbm>>
      %dma_wait3A_26 = arith.constant 0 : i32
      %dma_wait3A_27 = arith.constant 0 : i32
      %dma_wait3A_28 = tpu.memref_slice %arg3[%add3A, %dma_wait3A_26, %dma_wait3A_27] : memref<32x40x128xi32, #tpu.memory_space<hbm>> -> memref<1x40x128xi32, #tpu.memory_space<hbm>>
      %dma_wait3A_29 = tpu.memref_squeeze %dma_wait3A_28 : memref<1x40x128xi32, #tpu.memory_space<hbm>> -> memref<40x128xi32, #tpu.memory_space<hbm>>
      tpu.wait_dma2 semaphore(%run_scoped3A : memref<!tpu.dma_semaphore, #tpu.memory_space<semaphore_mem>>) src(%dma_wait3A_29 : memref<40x128xi32, #tpu.memory_space<hbm>>) dst(%arg8 : memref<40x128xi32, #tpu.memory_space<vmem>>)
      tpu.yield
    }) : () -> ()
    "tpu.region"() ({
      %run_scoped3A = tpu.sem_alloc : memref<!tpu.dma_semaphore, #tpu.memory_space<semaphore_mem>>
      %dma_start3A = arith.constant 0 : i32
      %dma_start3A_16 = arith.constant 0 : i32
      %dma_start3A_17 = tpu.memref_slice %arg4[%add3A, %dma_start3A, %dma_start3A_16] : memref<32x40x128xi32, #tpu.memory_space<hbm>> -> memref<1x40x128xi32, #tpu.memory_space<hbm>>
      %dma_start3A_18 = tpu.memref_squeeze %dma_start3A_17 : memref<1x40x128xi32, #tpu.memory_space<hbm>> -> memref<40x128xi32, #tpu.memory_space<hbm>>
      %dma_start3A_19 = arith.constant 0 : i32
      %dma_start3A_20 = arith.constant 0 : i32
      %dma_start3A_21 = tpu.memref_slice %arg4[%add3A, %dma_start3A_19, %dma_start3A_20] : memref<32x40x128xi32, #tpu.memory_space<hbm>> -> memref<1x40x128xi32, #tpu.memory_space<hbm>>
      %dma_start3A_22 = tpu.memref_squeeze %dma_start3A_21 : memref<1x40x128xi32, #tpu.memory_space<hbm>> -> memref<40x128xi32, #tpu.memory_space<hbm>>
      tpu.enqueue_dma source(%dma_start3A_22 : memref<40x128xi32, #tpu.memory_space<hbm>>) target(%arg9 : memref<40x128xi32, #tpu.memory_space<vmem>>) target_semaphore(%run_scoped3A : memref<!tpu.dma_semaphore, #tpu.memory_space<semaphore_mem>>)
      %dma_wait3A = arith.constant 0 : i32
      %dma_wait3A_23 = arith.constant 0 : i32
      %dma_wait3A_24 = tpu.memref_slice %arg4[%add3A, %dma_wait3A, %dma_wait3A_23] : memref<32x40x128xi32, #tpu.memory_space<hbm>> -> memref<1x40x128xi32, #tpu.memory_space<hbm>>
      %dma_wait3A_25 = tpu.memref_squeeze %dma_wait3A_24 : memref<1x40x128xi32, #tpu.memory_space<hbm>> -> memref<40x128xi32, #tpu.memory_space<hbm>>
      %dma_wait3A_26 = arith.constant 0 : i32
      %dma_wait3A_27 = arith.constant 0 : i32
      %dma_wait3A_28 = tpu.memref_slice %arg4[%add3A, %dma_wait3A_26, %dma_wait3A_27] : memref<32x40x128xi32, #tpu.memory_space<hbm>> -> memref<1x40x128xi32, #tpu.memory_space<hbm>>
      %dma_wait3A_29 = tpu.memref_squeeze %dma_wait3A_28 : memref<1x40x128xi32, #tpu.memory_space<hbm>> -> memref<40x128xi32, #tpu.memory_space<hbm>>
      tpu.wait_dma2 semaphore(%run_scoped3A : memref<!tpu.dma_semaphore, #tpu.memory_space<semaphore_mem>>) src(%dma_wait3A_29 : memref<40x128xi32, #tpu.memory_space<hbm>>) dst(%arg9 : memref<40x128xi32, #tpu.memory_space<vmem>>)
      tpu.yield
    }) : () -> ()
    %barrier3A = arith.constant 0 : index
    tpu.barrier barrier_id(%barrier3A)
    %mul3A_3 = arith.constant 5120 : i32
    %mul3A_4 = arith.muli %add3A, %mul3A_3 : i32
    %scan3A = arith.constant 0 : i32
    %scan3A_5 = arith.constant 0 : i32
    %scan3A_6 = arith.constant 40 : i32
    %scan3A_7 = arith.addi %scan3A_5, %scan3A_6 : i32
    %scan3A_8 = arith.constant 1 : i32
    %scan3A_9 = scf.for %scan3A_16 = %scan3A_5 to %scan3A_7 step %scan3A_8 iter_args(%scan3A_17 = %scan3A) -> (i32)  : i32 {
      %mul3A_18 = arith.constant 128 : i32
      %mul3A_19 = arith.muli %scan3A_16, %mul3A_18 : i32
      %add3A_20 = arith.addi %mul3A_4, %mul3A_19 : i32
      %dma_start3A = arith.constant 0 : i32
      %dma_start3A_21 = tpu.memref_slice %arg8[%scan3A_16, %dma_start3A] : memref<40x128xi32, #tpu.memory_space<vmem>> -> memref<1x128xi32, #tpu.memory_space<vmem>>
      %dma_start3A_22 = tpu.memref_squeeze %dma_start3A_21 : memref<1x128xi32, #tpu.memory_space<vmem>> -> memref<128xi32, #tpu.memory_space<vmem>>
      %dma_start3A_23 = arith.constant 0 : i32
      %dma_start3A_24 = arith.constant 0 : i32
      %dma_start3A_25 = tpu.memref_slice %arg2[%dma_start3A_23, %dma_start3A_24] : memref<20000x128xf32, #tpu.memory_space<hbm>> -> memref<20000x128xf32, #tpu.memory_space<hbm>>
      tpu.enqueue_indirect_dma source(%dma_start3A_25 : memref<20000x128xf32, #tpu.memory_space<hbm>>) target(%arg10 : memref<128x128xf32, #tpu.memory_space<vmem>>) offsets(%dma_start3A_22 : memref<128xi32, #tpu.memory_space<vmem>>) semaphore(%arg13 : memref<!tpu.dma_semaphore, #tpu.memory_space<semaphore_mem>>)
      %dma_wait3A = arith.constant 0 : i32
      %dma_wait3A_26 = tpu.memref_slice %arg8[%scan3A_16, %dma_wait3A] : memref<40x128xi32, #tpu.memory_space<vmem>> -> memref<1x128xi32, #tpu.memory_space<vmem>>
      %dma_wait3A_27 = tpu.memref_squeeze %dma_wait3A_26 : memref<1x128xi32, #tpu.memory_space<vmem>> -> memref<128xi32, #tpu.memory_space<vmem>>
      %dma_wait3A_28 = arith.constant 0 : i32
      %dma_wait3A_29 = arith.constant 0 : i32
      %dma_wait3A_30 = tpu.memref_slice %arg2[%dma_wait3A_28, %dma_wait3A_29] : memref<20000x128xf32, #tpu.memory_space<hbm>> -> memref<20000x128xf32, #tpu.memory_space<hbm>>
      tpu.wait_indirect_dma semaphore(%arg13 : memref<!tpu.dma_semaphore, #tpu.memory_space<semaphore_mem>>) src(%dma_wait3A_30 : memref<20000x128xf32, #tpu.memory_space<hbm>>) dst(%arg10 : memref<128x128xf32, #tpu.memory_space<vmem>>)
      "tpu.region"() ({
        %run_scoped3A = tpu.sem_alloc : memref<!tpu.dma_semaphore, #tpu.memory_space<semaphore_mem>>
        %dma_start3A_32 = arith.constant 0 : i32
        %dma_start3A_33 = tpu.memref_slice %arg5[%add3A_20, %dma_start3A_32] : memref<163840x128xf32, #tpu.memory_space<hbm>> -> memref<128x128xf32, #tpu.memory_space<hbm>>
        %dma_start3A_34 = arith.constant 0 : i32
        %dma_start3A_35 = tpu.memref_slice %arg5[%add3A_20, %dma_start3A_34] : memref<163840x128xf32, #tpu.memory_space<hbm>> -> memref<128x128xf32, #tpu.memory_space<hbm>>
        tpu.enqueue_dma source(%dma_start3A_35 : memref<128x128xf32, #tpu.memory_space<hbm>>) target(%arg11 : memref<128x128xf32, #tpu.memory_space<vmem>>) target_semaphore(%run_scoped3A : memref<!tpu.dma_semaphore, #tpu.memory_space<semaphore_mem>>)
        %dma_wait3A_36 = arith.constant 0 : i32
        %dma_wait3A_37 = tpu.memref_slice %arg5[%add3A_20, %dma_wait3A_36] : memref<163840x128xf32, #tpu.memory_space<hbm>> -> memref<128x128xf32, #tpu.memory_space<hbm>>
        %dma_wait3A_38 = arith.constant 0 : i32
        %dma_wait3A_39 = tpu.memref_slice %arg5[%add3A_20, %dma_wait3A_38] : memref<163840x128xf32, #tpu.memory_space<hbm>> -> memref<128x128xf32, #tpu.memory_space<hbm>>
        tpu.wait_dma2 semaphore(%run_scoped3A : memref<!tpu.dma_semaphore, #tpu.memory_space<semaphore_mem>>) src(%dma_wait3A_39 : memref<128x128xf32, #tpu.memory_space<hbm>>) dst(%arg11 : memref<128x128xf32, #tpu.memory_space<vmem>>)
        tpu.yield
      }) : () -> ()
      "tpu.region"() ({
        %run_scoped3A = tpu.sem_alloc : memref<!tpu.dma_semaphore, #tpu.memory_space<semaphore_mem>>
        %dma_start3A_32 = arith.constant 0 : i32
        %dma_start3A_33 = tpu.memref_slice %arg9[%scan3A_16, %dma_start3A_32] : memref<40x128xi32, #tpu.memory_space<vmem>> -> memref<1x128xi32, #tpu.memory_space<vmem>>
        %dma_start3A_34 = tpu.memref_squeeze %dma_start3A_33 : memref<1x128xi32, #tpu.memory_space<vmem>> -> memref<128xi32, #tpu.memory_space<vmem>>
        %dma_start3A_35 = arith.constant 0 : i32
        %dma_start3A_36 = arith.constant 0 : i32
        %dma_start3A_37 = tpu.memref_slice %arg12[%dma_start3A_35, %dma_start3A_36] : memref<10112x128xf32, #tpu.memory_space<vmem_shared>> -> memref<10112x128xf32, #tpu.memory_space<vmem_shared>>
        tpu.enqueue_indirect_dma source(%arg10 : memref<128x128xf32, #tpu.memory_space<vmem>>) target(%dma_start3A_37 : memref<10112x128xf32, #tpu.memory_space<vmem_shared>>) offsets(%dma_start3A_34 : memref<128xi32, #tpu.memory_space<vmem>>) semaphore(%run_scoped3A : memref<!tpu.dma_semaphore, #tpu.memory_space<semaphore_mem>>) {add = true}
        %dma_wait3A_38 = arith.constant 0 : i32
        %dma_wait3A_39 = tpu.memref_slice %arg9[%scan3A_16, %dma_wait3A_38] : memref<40x128xi32, #tpu.memory_space<vmem>> -> memref<1x128xi32, #tpu.memory_space<vmem>>
        %dma_wait3A_40 = tpu.memref_squeeze %dma_wait3A_39 : memref<1x128xi32, #tpu.memory_space<vmem>> -> memref<128xi32, #tpu.memory_space<vmem>>
        %dma_wait3A_41 = arith.constant 0 : i32
        %dma_wait3A_42 = arith.constant 0 : i32
        %dma_wait3A_43 = tpu.memref_slice %arg12[%dma_wait3A_41, %dma_wait3A_42] : memref<10112x128xf32, #tpu.memory_space<vmem_shared>> -> memref<10112x128xf32, #tpu.memory_space<vmem_shared>>
        tpu.wait_indirect_dma semaphore(%run_scoped3A : memref<!tpu.dma_semaphore, #tpu.memory_space<semaphore_mem>>) src(%arg10 : memref<128x128xf32, #tpu.memory_space<vmem>>) dst(%dma_wait3A_43 : memref<10112x128xf32, #tpu.memory_space<vmem_shared>>)
        tpu.yield
      }) : () -> ()
      "tpu.region"() ({
        %run_scoped3A = tpu.sem_alloc : memref<!tpu.dma_semaphore, #tpu.memory_space<semaphore_mem>>
        %dma_start3A_32 = arith.constant 0 : i32
        %dma_start3A_33 = tpu.memref_slice %arg9[%scan3A_16, %dma_start3A_32] : memref<40x128xi32, #tpu.memory_space<vmem>> -> memref<1x128xi32, #tpu.memory_space<vmem>>
        %dma_start3A_34 = tpu.memref_squeeze %dma_start3A_33 : memref<1x128xi32, #tpu.memory_space<vmem>> -> memref<128xi32, #tpu.memory_space<vmem>>
        %dma_start3A_35 = arith.constant 0 : i32
        %dma_start3A_36 = arith.constant 0 : i32
        %dma_start3A_37 = tpu.memref_slice %arg12[%dma_start3A_35, %dma_start3A_36] : memref<10112x128xf32, #tpu.memory_space<vmem_shared>> -> memref<10112x128xf32, #tpu.memory_space<vmem_shared>>
        tpu.enqueue_indirect_dma source(%arg11 : memref<128x128xf32, #tpu.memory_space<vmem>>) target(%dma_start3A_37 : memref<10112x128xf32, #tpu.memory_space<vmem_shared>>) offsets(%dma_start3A_34 : memref<128xi32, #tpu.memory_space<vmem>>) semaphore(%run_scoped3A : memref<!tpu.dma_semaphore, #tpu.memory_space<semaphore_mem>>) {add = true}
        %dma_wait3A_38 = arith.constant 0 : i32
        %dma_wait3A_39 = tpu.memref_slice %arg9[%scan3A_16, %dma_wait3A_38] : memref<40x128xi32, #tpu.memory_space<vmem>> -> memref<1x128xi32, #tpu.memory_space<vmem>>
        %dma_wait3A_40 = tpu.memref_squeeze %dma_wait3A_39 : memref<1x128xi32, #tpu.memory_space<vmem>> -> memref<128xi32, #tpu.memory_space<vmem>>
        %dma_wait3A_41 = arith.constant 0 : i32
        %dma_wait3A_42 = arith.constant 0 : i32
        %dma_wait3A_43 = tpu.memref_slice %arg12[%dma_wait3A_41, %dma_wait3A_42] : memref<10112x128xf32, #tpu.memory_space<vmem_shared>> -> memref<10112x128xf32, #tpu.memory_space<vmem_shared>>
        tpu.wait_indirect_dma semaphore(%run_scoped3A : memref<!tpu.dma_semaphore, #tpu.memory_space<semaphore_mem>>) src(%arg11 : memref<128x128xf32, #tpu.memory_space<vmem>>) dst(%dma_wait3A_43 : memref<10112x128xf32, #tpu.memory_space<vmem_shared>>)
        tpu.yield
      }) : () -> ()
      %scan3A_31 = arith.constant 0 : i32
      scf.yield %scan3A_31 : i32
    }
    %scan3A_10 = arith.constant 40 : i32
    %barrier3A_11 = arith.constant 0 : index
    tpu.barrier barrier_id(%barrier3A_11)
    %mul3A_12 = arith.constant 632 : i32
    %mul3A_13 = arith.muli %arg1, %mul3A_12 : i32
    %mul3A_14 = arith.constant 632 : i32
    %mul3A_15 = arith.muli %arg1, %mul3A_14 : i32
    "tpu.region"() ({
      %run_scoped3A = tpu.sem_alloc : memref<!tpu.dma_semaphore, #tpu.memory_space<semaphore_mem>>
      %dma_start3A = arith.constant 0 : i32
      %dma_start3A_16 = tpu.memref_slice %arg7[%arg0, %mul3A_15, %dma_start3A] : memref<2x10112x128xf32, #tpu.memory_space<hbm>> -> memref<1x632x128xf32, #tpu.memory_space<hbm>>
      %dma_start3A_17 = tpu.memref_squeeze %dma_start3A_16 : memref<1x632x128xf32, #tpu.memory_space<hbm>> -> memref<632x128xf32, #tpu.memory_space<hbm>>
      %dma_start3A_18 = arith.constant 0 : i32
      %dma_start3A_19 = tpu.memref_slice %arg12[%mul3A_13, %dma_start3A_18] : memref<10112x128xf32, #tpu.memory_space<vmem_shared>> -> memref<632x128xf32, #tpu.memory_space<vmem_shared>>
      tpu.enqueue_dma source(%dma_start3A_19 : memref<632x128xf32, #tpu.memory_space<vmem_shared>>) target(%dma_start3A_17 : memref<632x128xf32, #tpu.memory_space<hbm>>) target_semaphore(%run_scoped3A : memref<!tpu.dma_semaphore, #tpu.memory_space<semaphore_mem>>)
      %dma_wait3A = arith.constant 0 : i32
      %dma_wait3A_20 = tpu.memref_slice %arg7[%arg0, %mul3A_15, %dma_wait3A] : memref<2x10112x128xf32, #tpu.memory_space<hbm>> -> memref<1x632x128xf32, #tpu.memory_space<hbm>>
      %dma_wait3A_21 = tpu.memref_squeeze %dma_wait3A_20 : memref<1x632x128xf32, #tpu.memory_space<hbm>> -> memref<632x128xf32, #tpu.memory_space<hbm>>
      %dma_wait3A_22 = arith.constant 0 : i32
      %dma_wait3A_23 = tpu.memref_slice %arg12[%mul3A_13, %dma_wait3A_22] : memref<10112x128xf32, #tpu.memory_space<vmem_shared>> -> memref<632x128xf32, #tpu.memory_space<vmem_shared>>
      tpu.wait_dma2 semaphore(%run_scoped3A : memref<!tpu.dma_semaphore, #tpu.memory_space<semaphore_mem>>) src(%dma_wait3A_23 : memref<632x128xf32, #tpu.memory_space<vmem_shared>>) dst(%dma_wait3A_21 : memref<632x128xf32, #tpu.memory_space<hbm>>)
      tpu.yield
    }) : () -> ()
    return
  }
}

module attributes {stable_mosaic.version = 14 : i64} {
  func.func @_proj_kernel(%arg0: i32, %arg1: i32, %arg2: memref<1x1000x128xf32, #tpu.memory_space<vmem>>, %arg3: memref<1x128x128xf32, #tpu.memory_space<vmem>>, %arg4: memref<1x1x128xf32, #tpu.memory_space<vmem>>, %arg5: memref<1x1000x128xf32, #tpu.memory_space<vmem>>) attributes {dimension_semantics = [#tpu.dimension_semantics<arbitrary>, #tpu.dimension_semantics<arbitrary>], iteration_bounds = array<i64: 6, 5>, scalar_prefetch = 0 : i64, scratch_operands = 0 : i64, tpu.core_type = #tpu.core_type<tc>, window_params = [{transform_indices = @transform_0, window_bounds = array<i64: 1, 1000, 128>}, {transform_indices = @transform_1, window_bounds = array<i64: 1, 128, 128>}, {transform_indices = @transform_2, window_bounds = array<i64: 1, 1, 128>}, {transform_indices = @transform_3, window_bounds = array<i64: 1, 1000, 128>}]} {
    %get3A = arith.constant 0 : index
    %get3A_0 = arith.constant 0 : index
    %get3A_1 = arith.constant 0 : index
    %get3A_2 = vector.load %arg2[%get3A, %get3A_0, %get3A_1] : memref<1x1000x128xf32, #tpu.memory_space<vmem>>, vector<1x1000x128xf32>
    %get3A_3 = vector.shape_cast %get3A_2 : vector<1x1000x128xf32> to vector<1000x128xf32>
    %get3A_4 = arith.constant 0 : index
    %get3A_5 = arith.constant 0 : index
    %get3A_6 = arith.constant 0 : index
    %get3A_7 = vector.load %arg3[%get3A_4, %get3A_5, %get3A_6] : memref<1x128x128xf32, #tpu.memory_space<vmem>>, vector<1x128x128xf32>
    %get3A_8 = vector.shape_cast %get3A_7 : vector<1x128x128xf32> to vector<128x128xf32>
    %dot_general3A = arith.constant dense<0.000000e+00> : vector<1000x128xf32>
    %dot_general3A_9 = tpu.matmul %get3A_3, %get3A_8, %dot_general3A {dimension_numbers = #tpu.dot_dimension_numbers<[1], [0], [0], [1], [0, 0, 1, 1], [], []>, transpose_lhs_hint = false} : vector<1000x128xf32>, vector<128x128xf32>, vector<1000x128xf32> -> vector<1000x128xf32>
    %get3A_10 = arith.constant 0 : index
    %get3A_11 = arith.constant 0 : index
    %get3A_12 = arith.constant 0 : index
    %get3A_13 = vector.load %arg4[%get3A_10, %get3A_11, %get3A_12] : memref<1x1x128xf32, #tpu.memory_space<vmem>>, vector<1x1x128xf32>
    %get3A_14 = vector.shape_cast %get3A_13 : vector<1x1x128xf32> to vector<1x128xf32>
    %add3A = vector.broadcast %get3A_14 : vector<1x128xf32> to vector<1000x128xf32>
    %add3A_15 = arith.addf %dot_general3A_9, %add3A : vector<1000x128xf32>
    %swap3A = arith.constant 0 : index
    %swap3A_16 = arith.constant 0 : index
    %swap3A_17 = arith.constant 0 : index
    %swap3A_18 = vector.load %arg5[%swap3A, %swap3A_16, %swap3A_17] : memref<1x1000x128xf32, #tpu.memory_space<vmem>>, vector<1x1000x128xf32>
    %swap3A_19 = vector.shape_cast %swap3A_18 : vector<1x1000x128xf32> to vector<1000x128xf32>
    %swap3A_20 = vector.shape_cast %add3A_15 : vector<1000x128xf32> to vector<1x1000x128xf32>
    tpu.vector_store %arg5[%swap3A, %swap3A_16, %swap3A_17], %swap3A_20 {strides = array<i32>} : memref<1x1000x128xf32, #tpu.memory_space<vmem>>, vector<1x1000x128xf32>,
    return
  }
  func.func @transform_0(%arg0: i32, %arg1: i32) -> (i32, i32, i32) {
    %jit3A = arith.constant 2 : i32
    %eq3A = arith.constant 0 : i32
    %eq3A_0 = arith.cmpi eq, %jit3A, %eq3A : i32
    %jit3A_1 = arith.constant 1 : i32
    %select_n3A = arith.select %eq3A_0, %jit3A_1, %jit3A : i32
    %rem3A = arith.remsi %arg0, %select_n3A : i32
    %ne3A = arith.constant 0 : i32
    %ne3A_2 = arith.cmpi ne, %rem3A, %ne3A : i32
    %lt3A = arith.constant 0 : i32
    %lt3A_3 = arith.cmpi slt, %rem3A, %lt3A : i32
    %lt3A_4 = arith.constant 0 : i32
    %lt3A_5 = arith.cmpi slt, %select_n3A, %lt3A_4 : i32
    %ne3A_6 = arith.xori %lt3A_3, %lt3A_5 : i1
    %and3A = arith.andi %ne3A_6, %ne3A_2 : i1
    %add3A = arith.addi %rem3A, %select_n3A : i32
    %select_n3A_7 = arith.select %and3A, %add3A, %rem3A : i32
    %c0_i32 = arith.constant 0 : i32
    %c0_i32_8 = arith.constant 0 : i32
    return %select_n3A_7, %arg1, %c0_i32 : i32, i32, i32
  }
  func.func @transform_1(%arg0: i32, %arg1: i32) -> (i32, i32, i32) {
    %c0_i32 = arith.constant 0 : i32
    %c0_i32_0 = arith.constant 0 : i32
    %c0_i32_1 = arith.constant 0 : i32
    return %arg0, %c0_i32, %c0_i32_0 : i32, i32, i32
  }
  func.func @transform_2(%arg0: i32, %arg1: i32) -> (i32, i32, i32) {
    %c0_i32 = arith.constant 0 : i32
    %c0_i32_0 = arith.constant 0 : i32
    %c0_i32_1 = arith.constant 0 : i32
    return %arg0, %c0_i32, %c0_i32_0 : i32, i32, i32
  }
  func.func @transform_3(%arg0: i32, %arg1: i32) -> (i32, i32, i32) {
    %c0_i32 = arith.constant 0 : i32
    %c0_i32_0 = arith.constant 0 : i32
    return %arg0, %arg1, %c0_i32 : i32, i32, i32
  }
}

module attributes {stable_mosaic.version = 14 : i64} {
  func.func @_edgek_kernel(%arg0: i32, %arg1: memref<2048x32xf32, #tpu.memory_space<vmem>>, %arg2: memref<32x128xf32, #tpu.memory_space<vmem>>, %arg3: memref<2048x128xf32, #tpu.memory_space<vmem>>) attributes {dimension_semantics = [#tpu.dimension_semantics<arbitrary>], iteration_bounds = array<i64: 80>, scalar_prefetch = 0 : i64, scratch_operands = 0 : i64, tpu.core_type = #tpu.core_type<tc>, window_params = [{transform_indices = @transform_0, window_bounds = array<i64: 2048, 32>}, {pipeline_mode = #tpu.pipeline_mode<synchronous>, transform_indices = @transform_1, window_bounds = array<i64: 32, 128>}, {transform_indices = @transform_2, window_bounds = array<i64: 2048, 128>}]} {
    %get3A = arith.constant 0 : index
    %get3A_0 = arith.constant 0 : index
    %get3A_1 = vector.load %arg1[%get3A, %get3A_0] : memref<2048x32xf32, #tpu.memory_space<vmem>>, vector<2048x32xf32>
    %get3A_2 = arith.constant 0 : index
    %get3A_3 = arith.constant 0 : index
    %get3A_4 = vector.load %arg2[%get3A_2, %get3A_3] : memref<32x128xf32, #tpu.memory_space<vmem>>, vector<32x128xf32>
    %dot_general3A = arith.constant dense<0.000000e+00> : vector<2048x128xf32>
    %dot_general3A_5 = tpu.matmul %get3A_1, %get3A_4, %dot_general3A {dimension_numbers = #tpu.dot_dimension_numbers<[1], [0], [0], [1], [0, 0, 1, 1], [], []>, transpose_lhs_hint = false} : vector<2048x32xf32>, vector<32x128xf32>, vector<2048x128xf32> -> vector<2048x128xf32>
    %swap3A = arith.constant 0 : index
    %swap3A_6 = arith.constant 0 : index
    %swap3A_7 = vector.load %arg3[%swap3A, %swap3A_6] : memref<2048x128xf32, #tpu.memory_space<vmem>>, vector<2048x128xf32>
    tpu.vector_store %arg3[%swap3A, %swap3A_6], %dot_general3A_5 {strides = array<i32>} : memref<2048x128xf32, #tpu.memory_space<vmem>>, vector<2048x128xf32>,
    return
  }
  func.func @transform_0(%arg0: i32) -> (i32, i32) {
    %c0_i32 = arith.constant 0 : i32
    %c0_i32_0 = arith.constant 0 : i32
    return %arg0, %c0_i32 : i32, i32
  }
  func.func @transform_1(%arg0: i32) -> (i32, i32) {
    %c0_i32 = arith.constant 0 : i32
    %c0_i32_0 = arith.constant 0 : i32
    %c0_i32_1 = arith.constant 0 : i32
    return %c0_i32, %c0_i32_0 : i32, i32
  }
  func.func @transform_2(%arg0: i32) -> (i32, i32) {
    %c0_i32 = arith.constant 0 : i32
    %c0_i32_0 = arith.constant 0 : i32
    return %arg0, %c0_i32 : i32, i32
  }
}

module attributes {stable_mosaic.version = 14 : i64} {
  func.func @_combine_kernel(%arg0: i32, %arg1: memref<1x1000x128xf32, #tpu.memory_space<vmem>>, %arg2: memref<1x1000x128xf32, #tpu.memory_space<vmem>>, %arg3: memref<1x1000x128xf32, #tpu.memory_space<vmem>>, %arg4: memref<1x1x128xf32, #tpu.memory_space<vmem>>, %arg5: memref<1x1x128xf32, #tpu.memory_space<vmem>>, %arg6: memref<1000x128xf32, #tpu.memory_space<vmem>>) attributes {dimension_semantics = [#tpu.dimension_semantics<arbitrary>], iteration_bounds = array<i64: 10>, scalar_prefetch = 0 : i64, scratch_operands = 0 : i64, tpu.core_type = #tpu.core_type<tc>, window_params = [{transform_indices = @transform_0, window_bounds = array<i64: 1, 1000, 128>}, {transform_indices = @transform_1, window_bounds = array<i64: 1, 1000, 128>}, {transform_indices = @transform_2, window_bounds = array<i64: 1, 1000, 128>}, {transform_indices = @transform_3, window_bounds = array<i64: 1, 1, 128>}, {transform_indices = @transform_4, window_bounds = array<i64: 1, 1, 128>}, {transform_indices = @transform_5, window_bounds = array<i64: 1000, 128>}]} {
    %get3A = arith.constant 0 : index
    %get3A_0 = arith.constant 0 : index
    %get3A_1 = arith.constant 0 : index
    %get3A_2 = vector.load %arg1[%get3A, %get3A_0, %get3A_1] : memref<1x1000x128xf32, #tpu.memory_space<vmem>>, vector<1x1000x128xf32>
    %get3A_3 = vector.shape_cast %get3A_2 : vector<1x1000x128xf32> to vector<1000x128xf32>
    %get3A_4 = arith.constant 0 : index
    %get3A_5 = arith.constant 0 : index
    %get3A_6 = arith.constant 0 : index
    %get3A_7 = vector.load %arg2[%get3A_4, %get3A_5, %get3A_6] : memref<1x1000x128xf32, #tpu.memory_space<vmem>>, vector<1x1000x128xf32>
    %get3A_8 = vector.shape_cast %get3A_7 : vector<1x1000x128xf32> to vector<1000x128xf32>
    %add3A = arith.addf %get3A_3, %get3A_8 : vector<1000x128xf32>
    %get3A_9 = arith.constant 0 : index
    %get3A_10 = arith.constant 0 : index
    %get3A_11 = arith.constant 0 : index
    %get3A_12 = vector.load %arg3[%get3A_9, %get3A_10, %get3A_11] : memref<1x1000x128xf32, #tpu.memory_space<vmem>>, vector<1x1000x128xf32>
    %get3A_13 = vector.shape_cast %get3A_12 : vector<1x1000x128xf32> to vector<1000x128xf32>
    %add3A_14 = arith.addf %add3A, %get3A_13 : vector<1000x128xf32>
    %reduce_sum3A = arith.constant dense<0.000000e+00> : vector<1000xf32>
    %reduce_sum3A_15 = vector.multi_reduction <add>, %add3A_14, %reduce_sum3A [1] : vector<1000x128xf32> to vector<1000xf32>
    %broadcast_in_dim3A = vector.shape_cast %reduce_sum3A_15 : vector<1000xf32> to vector<1000x1xf32>
    %div3A = arith.constant 1.280000e+02 : f32
    %div3A_16 = vector.broadcast %div3A : f32 to vector<1000x1xf32>
    %div3A_17 = arith.divf %broadcast_in_dim3A, %div3A_16 : vector<1000x1xf32>
    %sub3A = vector.broadcast %div3A_17 : vector<1000x1xf32> to vector<1000x128xf32>
    %sub3A_18 = arith.subf %add3A_14, %sub3A : vector<1000x128xf32>
    %integer_pow3A = arith.mulf %sub3A_18, %sub3A_18 : vector<1000x128xf32>
    %reduce_sum3A_19 = arith.constant dense<0.000000e+00> : vector<1000xf32>
    %reduce_sum3A_20 = vector.multi_reduction <add>, %integer_pow3A, %reduce_sum3A_19 [1] : vector<1000x128xf32> to vector<1000xf32>
    %broadcast_in_dim3A_21 = vector.shape_cast %reduce_sum3A_20 : vector<1000xf32> to vector<1000x1xf32>
    %div3A_22 = arith.constant 1.280000e+02 : f32
    %div3A_23 = vector.broadcast %div3A_22 : f32 to vector<1000x1xf32>
    %div3A_24 = arith.divf %broadcast_in_dim3A_21, %div3A_23 : vector<1000x1xf32>
    %sub3A_25 = vector.broadcast %div3A_17 : vector<1000x1xf32> to vector<1000x128xf32>
    %sub3A_26 = arith.subf %add3A_14, %sub3A_25 : vector<1000x128xf32>
    %add3A_27 = arith.constant 9.99999974E-6 : f32
    %add3A_28 = vector.broadcast %add3A_27 : f32 to vector<1000x1xf32>
    %add3A_29 = arith.addf %div3A_24, %add3A_28 : vector<1000x1xf32>
    %rsqrt3A = math.rsqrt %add3A_29 : vector<1000x1xf32>
    %mul3A = vector.broadcast %rsqrt3A : vector<1000x1xf32> to vector<1000x128xf32>
    %mul3A_30 = arith.mulf %sub3A_26, %mul3A : vector<1000x128xf32>
    %get3A_31 = arith.constant 0 : index
    %get3A_32 = arith.constant 0 : index
    %get3A_33 = arith.constant 0 : index
    %get3A_34 = vector.load %arg4[%get3A_31, %get3A_32, %get3A_33] : memref<1x1x128xf32, #tpu.memory_space<vmem>>, vector<1x1x128xf32>
    %get3A_35 = vector.shape_cast %get3A_34 : vector<1x1x128xf32> to vector<128xf32>
    %broadcast_in_dim3A_36 = vector.shape_cast %get3A_35 : vector<128xf32> to vector<1x128xf32>
    %mul3A_37 = vector.broadcast %broadcast_in_dim3A_36 : vector<1x128xf32> to vector<1000x128xf32>
    %mul3A_38 = arith.mulf %mul3A_30, %mul3A_37 : vector<1000x128xf32>
    %get3A_39 = arith.constant 0 : index
    %get3A_40 = arith.constant 0 : index
    %get3A_41 = arith.constant 0 : index
    %get3A_42 = vector.load %arg5[%get3A_39, %get3A_40, %get3A_41] : memref<1x1x128xf32, #tpu.memory_space<vmem>>, vector<1x1x128xf32>
    %get3A_43 = vector.shape_cast %get3A_42 : vector<1x1x128xf32> to vector<128xf32>
    %broadcast_in_dim3A_44 = vector.shape_cast %get3A_43 : vector<128xf32> to vector<1x128xf32>
    %add3A_45 = vector.broadcast %broadcast_in_dim3A_44 : vector<1x128xf32> to vector<1000x128xf32>
    %add3A_46 = arith.addf %mul3A_38, %add3A_45 : vector<1000x128xf32>
    %swap3A = arith.constant 0 : index
    %swap3A_47 = arith.constant 0 : index
    %swap3A_48 = vector.load %arg6[%swap3A, %swap3A_47] : memref<1000x128xf32, #tpu.memory_space<vmem>>, vector<1000x128xf32>
    tpu.vector_store %arg6[%swap3A, %swap3A_47], %add3A_46 {strides = array<i32>} : memref<1000x128xf32, #tpu.memory_space<vmem>>, vector<1000x128xf32>,
    return
  }
  func.func @transform_0(%arg0: i32) -> (i32, i32, i32) {
    %jit3A = arith.constant 5 : i32
    %div3A = arith.divsi %arg0, %jit3A : i32
    %sign3A = arith.constant 0 : i32
    %sign3A_0 = arith.cmpi sgt, %arg0, %sign3A : i32
    %sign3A_1 = arith.extui %sign3A_0 : i1 to i32
    %sign3A_2 = arith.constant 0 : i32
    %sign3A_3 = arith.cmpi slt, %arg0, %sign3A_2 : i32
    %sign3A_4 = arith.extui %sign3A_3 : i1 to i32
    %sign3A_5 = arith.subi %sign3A_1, %sign3A_4 : i32
    %sign3A_6 = arith.constant 0 : i32
    %sign3A_7 = arith.cmpi sgt, %jit3A, %sign3A_6 : i32
    %sign3A_8 = arith.extui %sign3A_7 : i1 to i32
    %sign3A_9 = arith.constant 0 : i32
    %sign3A_10 = arith.cmpi slt, %jit3A, %sign3A_9 : i32
    %sign3A_11 = arith.extui %sign3A_10 : i1 to i32
    %sign3A_12 = arith.subi %sign3A_8, %sign3A_11 : i32
    %ne3A = arith.cmpi ne, %sign3A_5, %sign3A_12 : i32
    %rem3A = arith.remsi %arg0, %jit3A : i32
    %ne3A_13 = arith.constant 0 : i32
    %ne3A_14 = arith.cmpi ne, %rem3A, %ne3A_13 : i32
    %and3A = arith.andi %ne3A, %ne3A_14 : i1
    %sub3A = arith.constant 1 : i32
    %sub3A_15 = arith.subi %div3A, %sub3A : i32
    %select_n3A = arith.select %and3A, %sub3A_15, %div3A : i32
    %add3A = arith.constant 4 : i32
    %add3A_16 = arith.addi %add3A, %select_n3A : i32
    %jit3A_17 = arith.constant 5 : i32
    %eq3A = arith.constant 0 : i32
    %eq3A_18 = arith.cmpi eq, %jit3A_17, %eq3A : i32
    %jit3A_19 = arith.constant 1 : i32
    %select_n3A_20 = arith.select %eq3A_18, %jit3A_19, %jit3A_17 : i32
    %rem3A_21 = arith.remsi %arg0, %select_n3A_20 : i32
    %ne3A_22 = arith.constant 0 : i32
    %ne3A_23 = arith.cmpi ne, %rem3A_21, %ne3A_22 : i32
    %lt3A = arith.constant 0 : i32
    %lt3A_24 = arith.cmpi slt, %rem3A_21, %lt3A : i32
    %lt3A_25 = arith.constant 0 : i32
    %lt3A_26 = arith.cmpi slt, %select_n3A_20, %lt3A_25 : i32
    %ne3A_27 = arith.xori %lt3A_24, %lt3A_26 : i1
    %and3A_28 = arith.andi %ne3A_27, %ne3A_23 : i1
    %add3A_29 = arith.addi %rem3A_21, %select_n3A_20 : i32
    %select_n3A_30 = arith.select %and3A_28, %add3A_29, %rem3A_21 : i32
    %c0_i32 = arith.constant 0 : i32
    %c0_i32_31 = arith.constant 0 : i32
    return %add3A_16, %select_n3A_30, %c0_i32 : i32, i32, i32
  }
  func.func @transform_1(%arg0: i32) -> (i32, i32, i32) {
    %c0_i32 = arith.constant 0 : i32
    %c0_i32_0 = arith.constant 0 : i32
    %c0_i32_1 = arith.constant 0 : i32
    return %c0_i32, %arg0, %c0_i32_0 : i32, i32, i32
  }
  func.func @transform_2(%arg0: i32) -> (i32, i32, i32) {
    %c1_i32 = arith.constant 1 : i32
    %c0_i32 = arith.constant 0 : i32
    %c0_i32_0 = arith.constant 0 : i32
    return %c1_i32, %arg0, %c0_i32 : i32, i32, i32
  }
  func.func @transform_3(%arg0: i32) -> (i32, i32, i32) {
    %jit3A = arith.constant 5 : i32
    %div3A = arith.divsi %arg0, %jit3A : i32
    %sign3A = arith.constant 0 : i32
    %sign3A_0 = arith.cmpi sgt, %arg0, %sign3A : i32
    %sign3A_1 = arith.extui %sign3A_0 : i1 to i32
    %sign3A_2 = arith.constant 0 : i32
    %sign3A_3 = arith.cmpi slt, %arg0, %sign3A_2 : i32
    %sign3A_4 = arith.extui %sign3A_3 : i1 to i32
    %sign3A_5 = arith.subi %sign3A_1, %sign3A_4 : i32
    %sign3A_6 = arith.constant 0 : i32
    %sign3A_7 = arith.cmpi sgt, %jit3A, %sign3A_6 : i32
    %sign3A_8 = arith.extui %sign3A_7 : i1 to i32
    %sign3A_9 = arith.constant 0 : i32
    %sign3A_10 = arith.cmpi slt, %jit3A, %sign3A_9 : i32
    %sign3A_11 = arith.extui %sign3A_10 : i1 to i32
    %sign3A_12 = arith.subi %sign3A_8, %sign3A_11 : i32
    %ne3A = arith.cmpi ne, %sign3A_5, %sign3A_12 : i32
    %rem3A = arith.remsi %arg0, %jit3A : i32
    %ne3A_13 = arith.constant 0 : i32
    %ne3A_14 = arith.cmpi ne, %rem3A, %ne3A_13 : i32
    %and3A = arith.andi %ne3A, %ne3A_14 : i1
    %sub3A = arith.constant 1 : i32
    %sub3A_15 = arith.subi %div3A, %sub3A : i32
    %select_n3A = arith.select %and3A, %sub3A_15, %div3A : i32
    %c0_i32 = arith.constant 0 : i32
    %c0_i32_16 = arith.constant 0 : i32
    %c0_i32_17 = arith.constant 0 : i32
    return %select_n3A, %c0_i32, %c0_i32_16 : i32, i32, i32
  }
  func.func @transform_4(%arg0: i32) -> (i32, i32, i32) {
    %jit3A = arith.constant 5 : i32
    %div3A = arith.divsi %arg0, %jit3A : i32
    %sign3A = arith.constant 0 : i32
    %sign3A_0 = arith.cmpi sgt, %arg0, %sign3A : i32
    %sign3A_1 = arith.extui %sign3A_0 : i1 to i32
    %sign3A_2 = arith.constant 0 : i32
    %sign3A_3 = arith.cmpi slt, %arg0, %sign3A_2 : i32
    %sign3A_4 = arith.extui %sign3A_3 : i1 to i32
    %sign3A_5 = arith.subi %sign3A_1, %sign3A_4 : i32
    %sign3A_6 = arith.constant 0 : i32
    %sign3A_7 = arith.cmpi sgt, %jit3A, %sign3A_6 : i32
    %sign3A_8 = arith.extui %sign3A_7 : i1 to i32
    %sign3A_9 = arith.constant 0 : i32
    %sign3A_10 = arith.cmpi slt, %jit3A, %sign3A_9 : i32
    %sign3A_11 = arith.extui %sign3A_10 : i1 to i32
    %sign3A_12 = arith.subi %sign3A_8, %sign3A_11 : i32
    %ne3A = arith.cmpi ne, %sign3A_5, %sign3A_12 : i32
    %rem3A = arith.remsi %arg0, %jit3A : i32
    %ne3A_13 = arith.constant 0 : i32
    %ne3A_14 = arith.cmpi ne, %rem3A, %ne3A_13 : i32
    %and3A = arith.andi %ne3A, %ne3A_14 : i1
    %sub3A = arith.constant 1 : i32
    %sub3A_15 = arith.subi %div3A, %sub3A : i32
    %select_n3A = arith.select %and3A, %sub3A_15, %div3A : i32
    %c0_i32 = arith.constant 0 : i32
    %c0_i32_16 = arith.constant 0 : i32
    %c0_i32_17 = arith.constant 0 : i32
    return %select_n3A, %c0_i32, %c0_i32_16 : i32, i32, i32
  }
  func.func @transform_5(%arg0: i32) -> (i32, i32) {
    %c0_i32 = arith.constant 0 : i32
    %c0_i32_0 = arith.constant 0 : i32
    return %arg0, %c0_i32 : i32, i32
  }
}

</mosaic_0001>

<sc_bundles>
// kernel: kernel.6.cloned.1.call-start
scs
__scs_entry_jumppad:
0x0: {  	(pc) =	sbr.rel $0x88, $3  }
0x1: {  	(tag) =	ssettag $0x0;
	lr =	simm.s32 $0x1  }
0x2: {  	[smem:$0x3F8B] =	sst lr;
	_ =	strace $0xD0000000  }
0x3: {  	_ = 	snop  }
0x4: {  	_ = 	snop  }
0x5: {  	_ = 	snop  }
0x6: {  	_ = 	snop  }
0x7: {  	_ = 	snop  }
__scs_overlays_trampoline_lowered:
0x8: {  	[smem:$0x3F9A] =	sst s0  }
0x9: {  	[smem:$0x3F9B] =	sst s1  }
0xa: {  	[smem:$0x3F9C] =	sst s2  }
0xb: {  	[smem:$0x3F9D] =	sst s3  }
0xc: {  	[smem:$0x3F9E] =	sst s4  }
0xd: {  	[smem:$0x3F9F] =	sst s5  }
0xe: {  	[smem:$0x3FA0] =	sst s6  }
0xf: {  	[smem:$0x3FA1] =	sst s7  }
0x10: {  	[smem:$0x3FA2] =	sst s8  }
0x11: {  	[smem:$0x3FA3] =	sst s9;
	s0 =	simm.s32 @!p0 $0x0  }
0x12: {  	s1 =	sld [smem:$0x3F89];
	s0 =	simm.s32 @p0 $0x1  }
0x13: {  	[smem:$0x3FA4] =	sst s0;
	s0 =	simm.s32 @!p1 $0x0  }
0x14: {  	s2 =	sld [smem:$0x3F88];
	s0 =	simm.s32 @p1 $0x1  }
0x15: {  	[smem:$0x3FA5] =	sst s0;
	s0 =	simm.s32 @!p2 $0x0  }
0x16: {  	s3 =	sld [smem:$0x3FDB];
	s0 =	simm.s32 @p2 $0x1  }
0x17: {  	s4 =	simm.s32 $0x1BF5;
	[smem:$0x3FA7] =	sst s0  }
0x18: {  	s0 =	sld [smem:$0x3F8A];
	_ =	swait.ge [sflag:s4], $0x0  }
0x19: {  	s7 =	sld [smem:$0x3F8B]  }
0x1a: {  	s8 =	sadd.s32 $0xFFFFE003, lr  }
0x1b: {  	s9 =	sadd.s32 $0xFFFFFEF7, lr;
	s5 =	simm.s32 $0xFFFFFFFF;
	p2 =	slt.u32 s8, $0xFFFFF086  }
0x1c: {  	p1 =	slt.u32 s9, $0xF7A;
	s5 =	simm.s32 @!p2 $0x0  }
0x1d: {  	s5 =	simm.s32 @p1 $0x1;
	p0 =	seq.s32 s7, s2  }
0x1e: {  	s7 =	smul.u32 @!p0 $0xF7A, s2;
	p2 =	seq.s32 @!p0 s5, $0x0  }
0x1f: {  	s9 =	smul.u32 $0xF7A, s1;
	s8 =	simm.s32 @!p0 $0x1BF5;
	p2 =	por !p2, p0  }
0x20: {  	[sflag:s8] =	ssyncset.s32 @!p0 $0xFFFFF086;
	s6 =	sadd.s32 @!p0 s3, s7;
	s7 =	simm.s32 @!p0 $0x108  }
0x21: {  	s3 =	sadd.s32 s3, s9;
	s6 =	sadd.s32 @!p0 $0x88, s6;
	s7 =	simm.s32 @p2 $0x1082  }
0x22: {  	[simem:s7], [sflag:s8] =	dma.local @!p0 [hbm:s6], $0xF7A  }
0x23: {  	s9 =	sor.u32 $0xD0000000, s2;
	s6 =	simm.s32 $0x108;
	_ =	swait.ge @!p0 [sflag:s8], $0x0  }
0x24: {  	s3 =	sadd.s32 $0x88, s3;
	s6 =	simm.s32 @!p1 $0x1082;
	[sflag:s4] =	ssyncset.s32 $0xFFFFF086  }
0x25: {  	[simem:s6], [sflag:s4] =	dma.local [hbm:s3], $0xF7A  }
0x26: {  	[smem:$0x3F8B] =	sst s1;
	(tag) =	ssettag s2;
	_ =	strace s9  }
0x27: {  	s1 =	sld [smem:$0x3F9B]  }
0x28: {  	s2 =	sld [smem:$0x3F9C]  }
0x29: {  	s4 =	sld [smem:$0x3F9E]  }
0x2a: {  	p0 =	seq.s32 s5, $0x0;
	s5 =	sld [smem:$0x3F9F]  }
0x2b: {  	s6 =	sld [smem:$0x3FA0]  }
0x2c: {  	s7 =	sld [smem:$0x3FA1]  }
0x2d: {  	s3 =	simm.s32 $0x108;
	s8 =	sld [smem:$0x3FA2]  }
0x2e: {  	s3 =	simm.s32 @!p0 $0x1082;
	s9 =	sld [smem:$0x3FA3]  }
0x2f: {  	lr =	sadd.s32 s0, s3;
	s0 =	sld [smem:$0x3F9A]  }
0x30: {  	s3 =	sld [smem:$0x3F9D]  }
0x31: {  	[smem:$0x3FA6] =	sst s10  }
0x32: {  	s10 =	sld [smem:$0x3FA4];
	_ =	sdelay $0x3  }
0x33: {  	p0 =	seq.s32 s10, $0x1;
	s10 =	sld [smem:$0x3FA6];
	_ =	sdelay $0x3  }
0x34: {  	[smem:$0x3FA6] =	sst s10  }
0x35: {  	s10 =	sld [smem:$0x3FA5];
	_ =	sdelay $0x3  }
0x36: {  	p1 =	seq.s32 s10, $0x1;
	s10 =	sld [smem:$0x3FA6];
	_ =	sdelay $0x3  }
0x37: {  	[smem:$0x3FA6] =	sst s10  }
0x38: {  	s10 =	sld [smem:$0x3FA7]  }
0x39: {  	_ = 	snop;
	(pc) =	sbr.ind lr, $3  }
0x3a: {  	_ = 	snop  }
0x3b: {  	_ = 	snop  }
0x3c: {  	p2 =	seq.s32 s10, $0x1;
	s10 =	sld [smem:$0x3FA6]  }
0x3d: {  	_ =	shalt  }
0x3e: {  	_ =	shalt  }
0x3f: {  	_ =	shalt  }
0x40: {  	_ =	shalt  }
0x41: {  	_ =	shalt  }
0x42: {  	_ =	shalt  }
0x43: {  	_ =	shalt  }
0x44: {  	_ =	shalt  }
0x45: {  	_ =	shalt  }
0x46: {  	_ =	shalt  }
0x47: {  	_ =	shalt  }
0x48: {  	_ =	shalt  }
0x49: {  	_ =	shalt  }
0x4a: {  	_ =	shalt  }
0x4b: {  	_ =	shalt  }
0x4c: {  	_ =	shalt  }
0x4d: {  	_ =	shalt  }
0x4e: {  	_ =	shalt  }
0x4f: {  	_ =	shalt  }
0x50: {  	_ =	shalt  }
0x51: {  	_ =	shalt  }
0x52: {  	_ =	shalt  }
0x53: {  	_ =	shalt  }
0x54: {  	_ =	shalt  }
0x55: {  	_ =	shalt  }
0x56: {  	_ =	shalt  }
0x57: {  	_ =	shalt  }
0x58: {  	_ =	shalt  }
0x59: {  	_ =	shalt  }
0x5a: {  	_ =	shalt  }
0x5b: {  	_ =	shalt  }
0x5c: {  	_ =	shalt  }
0x5d: {  	_ =	shalt  }
0x5e: {  	_ =	shalt  }
0x5f: {  	_ =	shalt  }
0x60: {  	_ =	shalt  }
0x61: {  	_ =	shalt  }
0x62: {  	_ =	shalt  }
0x63: {  	_ =	shalt  }
0x64: {  	_ =	shalt  }
0x65: {  	_ =	shalt  }
0x66: {  	_ =	shalt  }
0x67: {  	_ =	shalt  }
0x68: {  	_ =	shalt  }
0x69: {  	_ =	shalt  }
0x6a: {  	_ =	shalt  }
0x6b: {  	_ =	shalt  }
0x6c: {  	_ =	shalt  }
0x6d: {  	_ =	shalt  }
0x6e: {  	_ =	shalt  }
0x6f: {  	_ =	shalt  }
0x70: {  	_ =	shalt  }
0x71: {  	_ =	shalt  }
0x72: {  	_ =	shalt  }
0x73: {  	_ =	shalt  }
0x74: {  	_ =	shalt  }
0x75: {  	_ =	shalt  }
0x76: {  	_ =	shalt  }
0x77: {  	_ =	shalt  }
0x78: {  	_ =	shalt  }
0x79: {  	_ =	shalt  }
0x7a: {  	_ =	shalt  }
0x7b: {  	_ =	shalt  }
0x7c: {  	_ =	shalt  }
0x7d: {  	_ =	shalt  }
0x7e: {  	_ =	shalt  }
0x7f: {  	_ =	shalt  }
0x80: {  	_ =	shalt  }
0x81: {  	_ =	shalt  }
0x82: {  	_ =	shalt  }
0x83: {  	_ =	shalt  }
0x84: {  	_ =	shalt  }
0x85: {  	_ =	shalt  }
0x86: {  	_ =	shalt  }
0x87: {  	_ =	shalt  }
.Lfunc_end0:
.L_simem_size_0:
called_computation_lowered:
.L_overlay_start_0:
0x88: {  	s2 =	sld [smem:$0x3FD9]  }
0x89: {  	s3 =	sld [smem:$0x3FFE];
	_ =	sdelay $0x1  }
0x8a: {  	s1 =	srdreg.scid  }
0x8b: {  	s0 =	sand.u32 $0x1, s1  }
0x8c: {  	s14 =	sshll.u32 s0, $0xA;
	s2 =	sadd.s32 s3, s2  }
0x8d: {  	s2 =	sadd.s32 s2, s14  }
0x8e: {  	[smem:$0x3FB2] =	sst s2  }
0x8f: {  	_ = 	snop  }
0x90: {  	s2 =	sld [smem:$0x3FD0];
	_ =	sdelay $0x2  }
0x91: {  	s15 =	simm.s32 $0xA;
	s4 =	simm.s32 $0x10  }
0x92: {  	[smem:s4], [sflag:s15] =	dma.local [hbm:s2], $0x1  }
0x93: {  	_ =	swait.eq [sflag:s15], $0x1  }
0x94: {  	[sflag:s15] =	ssyncset.done $0x0  }
0x95: {  	s16 =	sld [smem:$0x10];
	[sflag:s15] =	ssyncadd.s32 $0xFFFFFFFF  }
0x96: {  	s17 =	sld [smem:$0x11];
	(tm) =	ssettm $0x1  }
0x97: {  	s18 =	sld [smem:$0x3FFB];
	_ =	sdelay $0x3  }
0x98: {  	_ =	strace s18  }
0x99: {  	s4 =	sld [smem:$0x3FFC];
	_ =	sdelay $0x3  }
0x9a: {  	_ =	strace s4  }
0x9b: {  	s4 =	sld [smem:$0x3FFD];
	_ =	sdelay $0x3  }
0x9c: {  	_ =	strace s4  }
0x9d: {  	_ =	strace $0x8FFFFFFF  }
0x9e: {  	s19 =	sld [smem:$0x3FDB];
	_ =	sdelay $0x1  }
0x9f: {  	s5 =	simm.s32 $_scs_section_size  }
0xa0: {  	s6 =	simm.s32 $_size__tile_overlayer_lowered;
	s7 =	simm.s32 $_tile_overlayer_lowered  }
0xa1: {  	s22 =	simm.s32 $0x1BFF;
	s21 =	sshll.u32 s7, $0x1;
	s4 =	sadd.s32 s5, s19  }
0xa2: {  	s8 =	simm.s32 $0x0;
	s20 =	sshll.u32 s6, $0x1;
	s6 =	sadd.s32 s21, s4  }
0xa3: {  	[timem:s8], [sflag:s22] =	dma.local [hbm:s6], s20  }
0xa4: {  	_ =	swait.ge [sflag:s22], s20  }
0xa5: {  	s5 =	ssub.s32 $0x0, s20;
	[sflag:s22] =	ssyncset.done $0x0  }
0xa6: {  	[sflag:s22] =	ssyncadd.s32 s5;
	_ =	sdelay $0x1  }
0xa7: {  	s23 =	simm.s32 $0x1B8B  }
0xa8: {  	_ =	swait.ge [sflag:s23], $0x1  }
0xa9: {  	[sflag:s23] =	ssyncset.done $0x0  }
0xaa: {  	s25 =	simm.s32 $0x1B8E;
	s24 =	sld [smem:$0x3FFE];
	[sflag:s23] =	ssyncadd.s32 $0xFFFFFFFF  }
0xab: {  	s26 =	simm.s32 $execute0_lowered;
	[smem:$0x3FD2] =	sst s25  }
0xac: {  	s6 =	sshll.u32 s26, $0x1;
	_ =	strace $0x80000046;
	[dreg:$0x1] =	wrdreg $0xFFFFFFFF  }
0xad: {  	s28 =	simm.s32 $_size_execute0_lowered;
	s4 =	sadd.s32 s4, s6;
	[dreg:$0x0] =	wrdreg $0x0  }
0xae: {  	s6 =	sshll.u32 s28, $0x1;
	[dreg:$0x2] =	wrdreg s4  }
0xaf: {  	[dreg:$0x3] =	wrdreg s6  }
0xb0: {  	[dreg:$0x4] =	wrdreg $0xC0  }
0xb1: {  	_ =	task [dreg:s8], $0x5FFFF  }
0xb2: {  	[dreg:$0x1] =	wrdreg $0xFFFFFFFF  }
0xb3: {  	[dreg:$0x0] =	wrdreg $0x60  }
0xb4: {  	[dreg:$0x2] =	wrdreg s24  }
0xb5: {  	[dreg:$0x3] =	wrdreg s16  }
0xb6: {  	[dreg:$0x4] =	wrdreg s17  }
0xb7: {  	[dreg:$0x5] =	wrdreg $0xA8000  }
0xb8: {  	[dreg:$0x6] =	wrdreg $0x9  }
0xb9: {  	_ =	task.clear_ibuf [dreg:s8], $0x7FFFF;
	_ =	strace $0x90000046  }
0xba: {  	s29 =	simm.s32 $0x9;
	_ =	strace $0x80000048  }
0xbb: {  	_ =	swait.ge [sflag:s29], $0x1  }
0xbc: {  	[sflag:s29] =	ssyncadd.s32 $0xFFFFFFFF  }
0xbd: {  	_ =	strace $0x90000048  }
0xbe: {  	_ =	sfence  }
0xbf: {  	s30 =	sld [smem:$0x0];
	_ =	sdelay $0x2  }
0xc0: {  	s31 =	sshll.u32 s1, $0xD;
	s1 =	sshrl.u32 s1, $0x2  }
0xc1: {  	s3 =	sand.u32 $0x4000, s31;
	s1 =	sadd.s32 s1, s30  }
0xc2: {  	s0 =	sor.u32 s3, s0;
	s1 =	sshll.u32 s1, $0x11  }
0xc3: {  	s0 =	sor.u32 s1, s0  }
0xc4: {  	s0 =	sadd.s32 $0x8F2B, s0  }
0xc5: {  	[sflag:s0] =	ssyncadd.remote.s32 $0x1  }
0xc6: {  	_ =	sfence.sel $0xFFFF  }
0xc7: {  	[dreg:$0x0] =	wrdreg $0xFFFFFFFF;
	(pc) =	sbr.abs _section_cstart, $3  }
0xc8: {  	[dreg:$0x1] =	wrdreg $0xFFFFFFFF  }
0xc9: {  	_ =	task.clear_ibuf [dreg:s8], $0x2FFFF;
	_ =	strace $0x9FFFFFFF  }
0xca: {  	(tm) =	ssettm $0x7FFFFFFF  }
0xcb: {  	_ =	shalt  }
tec
execute0_lowered:
.L_overlay_start_1:
0x0: {  	(tag) =	ssettag $0x1  }
0x1: {  	s6 =	rddreg [dreg:$0x0]  }
0x2: {  	s7 =	rddreg [dreg:$0x1]  }
0x3: {  	s8 =	rddreg [dreg:$0x2]  }
0x4: {  	s1 =	rddreg [dreg:$0x3];
	s2 =	srdreg.scid  }
0x5: {  	s0 =	rddreg [dreg:$0x4];
	s3 =	simm.s32 $0x0;
	s15 =	simm.s32 $0x80  }
0x6: {  	s16 =	simm.s32 $0x2800;
	s17 =	simm.s32 $0x1;
	s9 =	sand.u32 $0x1, s2  }
0x7: {  	s18 =	simm.s32 $0x6800;
	[smem:$0x7FF] =	sst s3;
	s5 =	smul.u32 $0x140000, s9  }
0x8: {  	s19 =	simm.s32 $0x0;
	s2 =	stileid.u32;
	s10 =	smul.u32 $0x13C000, s9  }
0x9: {  	s4 =	sadd.s32 $0x76E00, s6;
	_ =	strace $0x80000047;
	s11 =	smul.u32 $0x13C00, s2  }
0xa: {  	s28 =	sshll.u32 s9, $0x4;
	s13 =	smul.u32 $0x4F000, s2;
	s9 =	ssub.s32 $0x2, s9  }
0xb: {  	s29 =	sshll.u32 s2, $0x6;
	s31 =	smul.u32 $0x14000, s2;
	s14 =	sshrl.u32 s9, $0x1  }
0xc: {  	s12 =	sadd.s32 s5, s6;
	s10 =	sadd.s32 s11, s10;
	s11 =	sor.u32 s2, s28  }
0xd: {  	s5 =	sadd.s32 $0xC5000, s6;
	s13 =	sshrl.u32 s13, $0x2;
	s11 =	smul.u32 $0x1400, s11  }
0xe: {  	s14 =	ssub.s32 s9, s14;
	s10 =	sshrl.u32 s10, $0x3;
	s13 =	sadd.s32 s13, s1  }
0xf: {  	s10 =	sadd.s32 s10, s6;
	s6 =	sor.u32 $0x1C02, s29;
	s30 =	sshrl.u32 s11, $0x3  }
0x10: {  	s9 =	sadd.s32 $0xC7800, s10;
	s10 =	smax.u32 s14, $0x1;
	s11 =	sadd.s32 s31, s12  }
0x11: {  	s12 =	sshrl.u32 s13, $0x3;
	s13 =	simm.s32 $0x2;
	s14 =	simm.s32 $0x1400  }
0x12: {  	s7 =	sadd.s32 s7, s30;
	s8 =	sadd.s32 s8, s30;
	s11 =	sadd.s32 $0x5B6000, s11  }
.LBB2_1:
0x13: {  	[spmem:s12], [sflag:s6] =	dma.local [hbm:s5], $0x2780  }
0x14: {  	_ =	swait.ge [sflag:s13], $0x2780  }
0x15: {  	[sflag:s13] =	ssyncset.done $0x0  }
0x16: {  	[sflag:s13] =	ssyncadd.s32 $0xFFFFD880  }
0x17: {  	[tilespmem:s3], [sflag:$0x2] =	stream.linear.gather [hbm4b:s7+s3], $0x1400, $0x38;
	[tilespmem:$0x1E400] =	vst v63  }
0x18: {  	_ =	swait.ge [sflag:s13], $0x1400  }
0x19: {  	[sflag:s13] =	ssyncset.done $0x0  }
0x1a: {  	[sflag:s13] =	ssyncadd.s32 $0xFFFFEC00  }
0x1b: {  	[tilespmem:s14], [sflag:$0x2] =	stream.linear.gather [hbm4b:s8+s3], $0x1400, $0x38;
	[tilespmem:$0x1E400] =	vst v63  }
0x1c: {  	_ =	swait.ge [sflag:s13], $0x1400  }
0x1d: {  	[sflag:s13] =	ssyncset.done $0x0  }
0x1e: {  	[sflag:s13] =	ssyncadd.s32 $0xFFFFEC00  }
0x1f: {  	s20 =	simm.s32 $0x0;
	[bflag:$0x0] =	sbarrier.arrive $0xFFFF  }
0x20: {  	[tilespmem:s16], [sflag:$0x1] =	stream.indirect.gather [hbm4b:s4+s15], $0x80, s20, s15, $0xb8;
	[tilespmem:$0x1E400] =	vst v63  }
0x21: {  	_ =	swait.ge [sflag:s17], $0x4000  }
0x22: {  	[sflag:s17] =	ssyncset.done $0x0  }
0x23: {  	[sflag:s17] =	ssyncadd.s32 $0xFFFFC000  }
0x24: {  	[tilespmem:s18], [sflag:$0x2] =	stream.linear.gather [hbm4b:s11+s3], $0x4000, $0x38;
	[tilespmem:$0x1E400] =	vst v63  }
0x25: {  	_ =	swait.ge [sflag:s13], $0x4000  }
0x26: {  	[sflag:s13] =	ssyncset.done $0x0  }
0x27: {  	s31 =	simm.s32 $0x1400;
	[sflag:s13] =	ssyncadd.s32 $0xFFFFC000  }
0x28: {  	[spmem:s1] =	stream.indirect.scatter.add.f32 [tilespmem:s16], [sflag:$0x2], $0x80, s31, s15, $0xb8;
	[tilespmem:$0x1E400] =	vst v63  }
0x29: {  	_ =	swait.ge [sflag:s13], $0x4000  }
0x2a: {  	[sflag:s13] =	ssyncset.done $0x0  }
0x2b: {  	[sflag:s13] =	ssyncadd.s32 $0xFFFFC000  }
0x2c: {  	[spmem:s1] =	stream.indirect.scatter.add.f32 [tilespmem:s18], [sflag:$0x2], $0x80, s31, s15, $0xb8;
	[tilespmem:$0x1E400] =	vst v63  }
0x2d: {  	s21 =	simm.s32 $0x200;
	_ =	swait.ge [sflag:s13], $0x4000  }
0x2e: {  	s22 =	simm.s32 $0x400;
	s20 =	sadd.s32 $0x800, s11;
	[sflag:s13] =	ssyncset.done $0x0  }
.LBB2_2:
0x2f: {  	s23 =	sshra.s32 s21, $0x2  }
0x30: {  	[sflag:s13] =	ssyncadd.s32 $0xFFFFC000;
	s21 =	smov.u32 s22;
	s24 =	sadd.s32 $0x200, s22  }
0x31: {  	[tilespmem:s16], [sflag:$0x1] =	stream.indirect.gather [hbm4b:s4+s15], $0x80, s23, s15, $0xb8;
	[tilespmem:$0x1E400] =	vst v63  }
0x32: {  	p0 =	sne.s32 s22, $0x4E00;
	_ =	swait.ge [sflag:s17], $0x4000  }
0x33: {  	[sflag:s17] =	ssyncset.done $0x0  }
0x34: {  	[sflag:s17] =	ssyncadd.s32 $0xFFFFC000  }
0x35: {  	[tilespmem:s18], [sflag:$0x2] =	stream.linear.gather [hbm4b:s20+s3], $0x4000, $0x38;
	[tilespmem:$0x1E400] =	vst v63  }
0x36: {  	_ =	swait.ge [sflag:s13], $0x4000  }
0x37: {  	[sflag:s13] =	ssyncset.done $0x0  }
0x38: {  	s22 =	sadd.s32 $0x1400, s23;
	[sflag:s13] =	ssyncadd.s32 $0xFFFFC000  }
0x39: {  	[spmem:s1] =	stream.indirect.scatter.add.f32 [tilespmem:s16], [sflag:$0x2], $0x80, s22, s15, $0xb8;
	[tilespmem:$0x1E400] =	vst v63  }
0x3a: {  	_ =	swait.ge [sflag:s13], $0x4000  }
.Ltmp0:
0x3b: {  	[sflag:s13] =	ssyncset.done $0x0;
	(pc) =	sbr.rel @p0 .LBB2_2-.Ltmp0, $4  }
0x3c: {  	[sflag:s13] =	ssyncadd.s32 $0xFFFFC000  }
0x3d: {  	[spmem:s1] =	stream.indirect.scatter.add.f32 [tilespmem:s18], [sflag:$0x2], $0x80, s22, s15, $0xb8;
	[tilespmem:$0x1E400] =	vst v63  }
0x3e: {  	_ =	swait.ge [sflag:s13], $0x4000  }
0x3f: {  	s20 =	sadd.s32 $0x800, s20;
	s22 =	smov.u32 s24;
	[sflag:s13] =	ssyncset.done $0x0  }
0x40: {  	s21 =	sshra.s32 s21, $0x2;
	[sflag:s13] =	ssyncadd.s32 $0xFFFFC000  }
0x41: {  	[tilespmem:s16], [sflag:$0x1] =	stream.indirect.gather [hbm4b:s4+s15], $0x80, s21, s15, $0xb8;
	[tilespmem:$0x1E400] =	vst v63  }
0x42: {  	_ =	swait.ge [sflag:s17], $0x4000  }
0x43: {  	[sflag:s17] =	ssyncset.done $0x0  }
0x44: {  	[sflag:s17] =	ssyncadd.s32 $0xFFFFC000  }
0x45: {  	[tilespmem:s18], [sflag:$0x2] =	stream.linear.gather [hbm4b:s20+s3], $0x4000, $0x38;
	[tilespmem:$0x1E400] =	vst v63  }
0x46: {  	_ =	swait.ge [sflag:s13], $0x4000  }
0x47: {  	[sflag:s13] =	ssyncset.done $0x0  }
0x48: {  	s31 =	sadd.s32 $0x1400, s21;
	[sflag:s13] =	ssyncadd.s32 $0xFFFFC000  }
0x49: {  	[spmem:s1] =	stream.indirect.scatter.add.f32 [tilespmem:s16], [sflag:$0x2], $0x80, s31, s15, $0xb8;
	[tilespmem:$0x1E400] =	vst v63  }
0x4a: {  	_ =	swait.ge [sflag:s13], $0x4000  }
0x4b: {  	[sflag:s13] =	ssyncset.done $0x0  }
0x4c: {  	[sflag:s13] =	ssyncadd.s32 $0xFFFFC000  }
0x4d: {  	[spmem:s1] =	stream.indirect.scatter.add.f32 [tilespmem:s18], [sflag:$0x2], $0x80, s31, s15, $0xb8;
	[tilespmem:$0x1E400] =	vst v63  }
0x4e: {  	_ =	swait.ge [sflag:s13], $0x4000  }
0x4f: {  	s19 =	sadd.s32 $0x1, s19;
	[sflag:s13] =	ssyncset.done $0x0  }
0x50: {  	p0 =	sne.s32 s19, s10;
	[sflag:s13] =	ssyncadd.s32 $0xFFFFC000  }
.Ltmp1:
0x51: {  	[bflag:$0x0] =	sbarrier.arrive $0xFFFF;
	(pc) =	sbr.rel @p0 .LBB2_1-.Ltmp1, $4  }
0x52: {  	[hbm:s9], [sflag:s6] =	dma.local [spmem:s12], $0x2780  }
0x53: {  	_ =	swait.ge [sflag:s13], $0x2780  }
0x54: {  	[sflag:s13] =	ssyncset.done $0x0  }
0x55: {  	[sflag:s13] =	ssyncadd.s32 $0xFFFFD880  }
0x56: {  	_ =	sfence.sel $0x180000  }
0x57: {  	[bflag:$0x0] =	sbarrier.arrive $0xFFFF  }
0x58: {  	p0 =	sne.s32 s2, $0x0;
	_ =	strace $0x90000047  }
0x59: {  	s0 =	sadd.s32 @!p0 $0x100000, s0;
	[bflag:$0x2] =	sbarrier.arrive $0xFFFF  }
0x5a: {  	[sflag:s0] =	ssyncadd.tile.s32 @!p0 $0x1;
	_ =	shalt  }
.Lfunc_end2:
_tile_overlayer_lowered:
.L_overlay_start_2:
0x5b: {  	(tag) =	ssettag $0x2  }
0x5c: {  	s0 =	rddreg [dreg:$0x0];
	s2 =	stileid.u32  }
0x5d: {  	s1 =	rddreg [dreg:$0x1];
	p0 =	sne.s32 s2, $0x0  }
0x5e: {  	s3 =	rddreg [dreg:$0x2];
	[bflag:$0x3] =	sbarrier.arrive $0xFFFF;
	s2 =	simm.s32 @!p0 $0x1C02  }
0x5f: {  	[timem:s3], [sflag:s2] =	dma.local @!p0 [hbm:s0], s1  }
0x60: {  	s0 =	simm.s32 @!p0 $0x2  }
0x61: {  	_ =	swait.ge @!p0 [sflag:s0], s1  }
0x62: {  	s1 =	ssub.s32 @!p0 $0x0, s1;
	[sflag:s0] =	ssyncset.done @!p0 $0x0  }
0x63: {  	[sflag:s0] =	ssyncadd.s32 @!p0 s1  }
0x64: {  	[bflag:$0x3] =	sbarrier.arrive $0xFFFF  }
0x65: {  	_ =	shalt  }

</sc_bundles>
